<compile_context>
chip_gen: v7x
topology: tpu7x:2x2x1
jax: 0.10.2.dev20260603
libtpu: 0.0.44.dev20260713+nightly
codegen_flags: <defaults>
</compile_context>

<pallas_src>
import functools

import jax
import jax.numpy as jnp
from jax import lax
from jax.experimental import pallas as pl
from jax.experimental.pallas import tpu as pltpu
from jax.experimental.pallas import tpu_sc as plsc

B = 1024
C = 100000
S = 32.0
M_MARGIN = 0.35
T_HARD = 0.2

_NC = 2
_NS = 16
_NW = _NC * _NS
_BPW = B // _NW


def _sc_body(xt_hbm, tgt_hbm, out_hbm, tgt_v, rows_v, sem):
    wid = lax.axis_index("s") * _NC + lax.axis_index("c")
    base = wid * _BPW
    pltpu.sync_copy(tgt_hbm.at[pl.ds(base, _BPW)], tgt_v)
    pltpu.async_copy(xt_hbm.at[tgt_v], rows_v, sem).wait()
    pltpu.sync_copy(rows_v, out_hbm.at[pl.ds(base, _BPW)])


def _sc_rowgather(xt, target):
    k = functools.partial(
        pl.kernel,
        out_type=jax.ShapeDtypeStruct((B, B), jnp.float32),
        mesh=plsc.VectorSubcoreMesh(
            core_axis_name="c", subcore_axis_name="s",
            num_cores=_NC, num_subcores=_NS,
        ),
        scratch_types=[
            pltpu.VMEM((_BPW,), jnp.int32),
            pltpu.VMEM((_BPW, B), jnp.float32),
            pltpu.SemaphoreType.DMA,
        ],
        compiler_params=pltpu.CompilerParams(use_tc_tiling_on_sc=True),
    )(_sc_body)
    return k(xt, target)




def _diag_body(q_ref, gt_ref):
    rio = lax.broadcasted_iota(jnp.int32, (B, B), 0)
    cio = lax.broadcasted_iota(jnp.int32, (B, B), 1)
    gt_ref[...] = jnp.sum(
        jnp.where(rio == cio, q_ref[...], 0.0), axis=0, keepdims=True
    )


def _diag(rowsq):
    return pl.pallas_call(
        _diag_body,
        out_shape=jax.ShapeDtypeStruct((1, B), jnp.float32),
    )(rowsq)


_CB = 2000
_NSTEP = C // _CB

_SHIFT = S * ((T_HARD + 1.0) + T_HARD)
_LOG2E = 1.4426950408889634
_K2 = S * _LOG2E
_M2 = _SHIFT * _LOG2E


def _ce_body(x_ref, g_ref, o_ref, acc):
    i = pl.program_id(0)

    @pl.when(i == 0)
    def _():
        acc[...] = jnp.zeros((1, B), jnp.float32)

    g = jnp.clip(g_ref[...], -1.0, 1.0)
    gm = g - M_MARGIN
    v = jnp.clip(x_ref[...], -1.0, 1.0)
    u = jnp.where(v > gm, (T_HARD + 1.0) * v + T_HARD, v)
    acc[...] += jnp.sum(jnp.exp2(u * _K2 - _M2), axis=0, keepdims=True)

    @pl.when(i == _NSTEP - 1)
    def _():
        fgt = jnp.where(g > 0.0, gm, g)
        trg = (T_HARD + 1.0) * g + T_HARD
        ssum = acc[...] - jnp.exp2(trg * _K2 - _M2) + jnp.exp2(fgt * _K2 - _M2)
        lse = jnp.log(ssum) + _SHIFT
        loss = jnp.sum(lse - S * fgt) * (1.0 / B)
        o_ref[...] = loss.reshape(1, 1)


def kernel(inputs, target):
    xt = inputs.T
    rowsq = _sc_rowgather(xt, target)
    gt = _diag(rowsq)
    loss = pl.pallas_call(
        _ce_body,
        grid=(_NSTEP,),
        in_specs=[
            pl.BlockSpec((_CB, B), lambda i: (i, 0)),
            pl.BlockSpec((1, B), lambda i: (0, 0)),
        ],
        out_specs=pl.BlockSpec((1, 1), lambda i: (0, 0)),
        out_shape=jax.ShapeDtypeStruct((1, 1), jnp.float32),
        scratch_shapes=[pltpu.VMEM((1, B), jnp.float32)],
    )(xt, gt)
    return loss[0, 0]

# --- scband reference (transcript-rebuilt; emitter-appended) ---
"""Pipeline reference for scband-mross-entropy-loss-47493748359242 (READ-ONLY COPY).

The authoritative reference and input builder live on the scoring server;
editing this copy changes nothing except your own understanding.
"""

import jax, jax.numpy as jnp
import numpy as np

B = 1024
C = 100000

def setup_inputs(seed: int = 0) -> dict:
    key = jax.random.key(seed)
    k1, k2 = jax.random.split(key)
    # cosine-similarity-like logits
    inputs = jax.random.normal(k1, (B, C), dtype=jnp.float32) * 0.3
    target = jax.random.randint(k2, (B,), 0, C, dtype=jnp.int32)
    return {"inputs": inputs, "target": target}

def reference(inputs, target):
    # MrossEntropyLoss, training mode, categ='mos', warmup=True, s=32
    s = 32.0
    m = 0.35
    t = 0.2
    b = target.shape[0]
    rows = jnp.arange(b)
    cos_theta = jnp.clip(inputs, -1.0, 1.0)
    gt = cos_theta[rows, target][:, None]  # [B, 1]
    # mask = cos_theta > gt - m ; hard examples get (t+1)*v + t
    mask = cos_theta > (gt - m)
    cos_theta = jnp.where(mask, (t + 1.0) * cos_theta + t, cos_theta)
    # warmup=True: final_gt = where(gt > 0, gt - m, gt)
    final_gt = jnp.where(gt > 0, gt - m, gt)
    # scatter_ overwrite target column with final_gt
    cos_theta = cos_theta.at[rows, target].set(final_gt[:, 0])
    logits = cos_theta * s
    # nn.CrossEntropyLoss (mean reduction)
    logp = jax.nn.log_softmax(logits, axis=-1)
    loss = -jnp.mean(logp[rows, target])
    return loss

if __name__ == "__main__":
    import jax
    _d = setup_inputs()
    print(jax.jit(kernel)(*tuple(_d.values())))

</pallas_src>

<mosaic_0001>
#map = affine_map<(d0, d1) -> (0, 0)>
#map1 = affine_map<(d0, d1) -> (0)>
module attributes {stable_mosaic.version = 14 : i64} {
  func.func @_sc_body(%arg0: i32, %arg1: i32, %arg2: memref<100000x1024xf32, #tpu.memory_space<hbm>>, %arg3: memref<1024xi32, #tpu.memory_space<hbm>>, %arg4: memref<1024x1024xf32, #tpu.memory_space<hbm>>, %arg5: memref<32xi32, #tpu.memory_space<vmem>>, %arg6: memref<32x1024xf32, #tpu.memory_space<vmem>>, %arg7: memref<!tpu.dma_semaphore, #tpu.memory_space<semaphore_mem>>) attributes {dimension_semantics = [#tpu.dimension_semantics<core_parallel>, #tpu.dimension_semantics<subcore_parallel>], iteration_bounds = array<i64: 2, 16>, scalar_prefetch = 0 : i64, scratch_operands = 3 : i64, tpu.core_type = #tpu.core_type<sc_vector_subcore>, window_params = [{transform_indices = #map}, {transform_indices = #map1}, {transform_indices = #map}]} {
    %mul3A = arith.constant 2 : i32
    %mul3A_0 = arith.muli %arg1, %mul3A : i32
    %add3A = arith.addi %mul3A_0, %arg0 : i32
    %mul3A_1 = arith.constant 32 : i32
    %mul3A_2 = arith.muli %add3A, %mul3A_1 : i32
    "tpu.region"() ({
      %run_scoped3A = tpu.sem_alloc : memref<!tpu.dma_semaphore, #tpu.memory_space<semaphore_mem>>
      %dma_start3A_7 = tpu.memref_slice %arg3[%mul3A_2] : memref<1024xi32, #tpu.memory_space<hbm>> -> memref<32xi32, #tpu.memory_space<hbm>>
      %dma_start3A_8 = tpu.memref_slice %arg3[%mul3A_2] : memref<1024xi32, #tpu.memory_space<hbm>> -> memref<32xi32, #tpu.memory_space<hbm>>
      tpu.enqueue_dma source(%dma_start3A_8 : memref<32xi32, #tpu.memory_space<hbm>>) target(%arg5 : memref<32xi32, #tpu.memory_space<vmem>>) target_semaphore(%run_scoped3A : memref<!tpu.dma_semaphore, #tpu.memory_space<semaphore_mem>>)
      %dma_wait3A_9 = tpu.memref_slice %arg3[%mul3A_2] : memref<1024xi32, #tpu.memory_space<hbm>> -> memref<32xi32, #tpu.memory_space<hbm>>
      %dma_wait3A_10 = tpu.memref_slice %arg3[%mul3A_2] : memref<1024xi32, #tpu.memory_space<hbm>> -> memref<32xi32, #tpu.memory_space<hbm>>
      tpu.wait_dma2 semaphore(%run_scoped3A : memref<!tpu.dma_semaphore, #tpu.memory_space<semaphore_mem>>) src(%dma_wait3A_10 : memref<32xi32, #tpu.memory_space<hbm>>) dst(%arg5 : memref<32xi32, #tpu.memory_space<vmem>>)
      tpu.yield
    }) : () -> ()
    %dma_start3A = arith.constant 0 : i32
    %dma_start3A_3 = arith.constant 0 : i32
    %dma_start3A_4 = tpu.memref_slice %arg2[%dma_start3A, %dma_start3A_3] : memref<100000x1024xf32, #tpu.memory_space<hbm>> -> memref<100000x1024xf32, #tpu.memory_space<hbm>>
    tpu.enqueue_indirect_dma source(%dma_start3A_4 : memref<100000x1024xf32, #tpu.memory_space<hbm>>) target(%arg6 : memref<32x1024xf32, #tpu.memory_space<vmem>>) offsets(%arg5 : memref<32xi32, #tpu.memory_space<vmem>>) semaphore(%arg7 : memref<!tpu.dma_semaphore, #tpu.memory_space<semaphore_mem>>)
    %dma_wait3A = arith.constant 0 : i32
    %dma_wait3A_5 = arith.constant 0 : i32
    %dma_wait3A_6 = tpu.memref_slice %arg2[%dma_wait3A, %dma_wait3A_5] : memref<100000x1024xf32, #tpu.memory_space<hbm>> -> memref<100000x1024xf32, #tpu.memory_space<hbm>>
    tpu.wait_indirect_dma semaphore(%arg7 : memref<!tpu.dma_semaphore, #tpu.memory_space<semaphore_mem>>) src(%dma_wait3A_6 : memref<100000x1024xf32, #tpu.memory_space<hbm>>) dst(%arg6 : memref<32x1024xf32, #tpu.memory_space<vmem>>)
    "tpu.region"() ({
      %run_scoped3A = tpu.sem_alloc : memref<!tpu.dma_semaphore, #tpu.memory_space<semaphore_mem>>
      %dma_start3A_7 = arith.constant 0 : i32
      %dma_start3A_8 = tpu.memref_slice %arg4[%mul3A_2, %dma_start3A_7] : memref<1024x1024xf32, #tpu.memory_space<hbm>> -> memref<32x1024xf32, #tpu.memory_space<hbm>>
      %dma_start3A_9 = arith.constant 0 : i32
      %dma_start3A_10 = tpu.memref_slice %arg4[%mul3A_2, %dma_start3A_9] : memref<1024x1024xf32, #tpu.memory_space<hbm>> -> memref<32x1024xf32, #tpu.memory_space<hbm>>
      tpu.enqueue_dma source(%arg6 : memref<32x1024xf32, #tpu.memory_space<vmem>>) target(%dma_start3A_10 : memref<32x1024xf32, #tpu.memory_space<hbm>>) target_semaphore(%run_scoped3A : memref<!tpu.dma_semaphore, #tpu.memory_space<semaphore_mem>>)
      %dma_wait3A_11 = arith.constant 0 : i32
      %dma_wait3A_12 = tpu.memref_slice %arg4[%mul3A_2, %dma_wait3A_11] : memref<1024x1024xf32, #tpu.memory_space<hbm>> -> memref<32x1024xf32, #tpu.memory_space<hbm>>
      %dma_wait3A_13 = arith.constant 0 : i32
      %dma_wait3A_14 = tpu.memref_slice %arg4[%mul3A_2, %dma_wait3A_13] : memref<1024x1024xf32, #tpu.memory_space<hbm>> -> memref<32x1024xf32, #tpu.memory_space<hbm>>
      tpu.wait_dma2 semaphore(%run_scoped3A : memref<!tpu.dma_semaphore, #tpu.memory_space<semaphore_mem>>) src(%arg6 : memref<32x1024xf32, #tpu.memory_space<vmem>>) dst(%dma_wait3A_14 : memref<32x1024xf32, #tpu.memory_space<hbm>>)
      tpu.yield
    }) : () -> ()
    return
  }
}

module attributes {stable_mosaic.version = 14 : i64} {
  func.func @_ce_body(%arg0: i32, %arg1: memref<2000x1024xf32, #tpu.memory_space<vmem>>, %arg2: memref<1x1024xf32, #tpu.memory_space<vmem>>, %arg3: memref<1x1xf32, #tpu.memory_space<vmem>>, %arg4: memref<1x1024xf32, #tpu.memory_space<vmem>>) attributes {dimension_semantics = [#tpu.dimension_semantics<arbitrary>], iteration_bounds = array<i64: 50>, scalar_prefetch = 0 : i64, scratch_operands = 1 : i64, tpu.core_type = #tpu.core_type<tc>, window_params = [{transform_indices = @transform_0, window_bounds = array<i64: 2000, 1024>}, {pipeline_mode = #tpu.pipeline_mode<synchronous>, transform_indices = @transform_1, window_bounds = array<i64: 1, 1024>}, {pipeline_mode = #tpu.pipeline_mode<synchronous>, transform_indices = @transform_2, window_bounds = array<i64: 1, 1>}]} {
    %eq3A = arith.constant 0 : i32
    %eq3A_0 = arith.cmpi eq, %arg0, %eq3A : i32
    %convert_element_type3A = arith.extui %eq3A_0 : i1 to i32
    %cond3A = arith.constant 0 : i32
    %cond3A_1 = arith.cmpi ne, %convert_element_type3A, %cond3A : i32
    scf.if %cond3A_1 {
      %broadcast_in_dim3A_41 = arith.constant 0.000000e+00 : f32
      %broadcast_in_dim3A_42 = vector.broadcast %broadcast_in_dim3A_41 : f32 to vector<1x1024xf32>
      %swap3A_43 = arith.constant 0 : index
      %swap3A_44 = arith.constant 0 : index
      %swap3A_45 = vector.load %arg4[%swap3A_43, %swap3A_44] : memref<1x1024xf32, #tpu.memory_space<vmem>>, vector<1x1024xf32>
      tpu.vector_store %arg4[%swap3A_43, %swap3A_44], %broadcast_in_dim3A_42 {strides = array<i32>} : memref<1x1024xf32, #tpu.memory_space<vmem>>, vector<1x1024xf32>,
    } else {
    }
    %get3A = arith.constant 0 : index
    %get3A_2 = arith.constant 0 : index
    %get3A_3 = vector.load %arg2[%get3A, %get3A_2] : memref<1x1024xf32, #tpu.memory_space<vmem>>, vector<1x1024xf32>
    %jit3A = arith.constant -1.000000e+00 : f32
    %jit3A_4 = arith.constant 1.000000e+00 : f32
    %max3A = vector.broadcast %jit3A : f32 to vector<1x1024xf32>
    %max3A_5 = arith.maximumf %max3A, %get3A_3 : vector<1x1024xf32>
    %min3A = vector.broadcast %jit3A_4 : f32 to vector<1x1024xf32>
    %min3A_6 = arith.minimumf %min3A, %max3A_5 : vector<1x1024xf32>
    %sub3A = arith.constant 3.500000e-01 : f32
    %sub3A_7 = vector.broadcast %sub3A : f32 to vector<1x1024xf32>
    %sub3A_8 = arith.subf %min3A_6, %sub3A_7 : vector<1x1024xf32>
    %get3A_9 = arith.constant 0 : index
    %get3A_10 = arith.constant 0 : index
    %get3A_11 = vector.load %arg1[%get3A_9, %get3A_10] : memref<2000x1024xf32, #tpu.memory_space<vmem>>, vector<2000x1024xf32>
    %jit3A_12 = arith.constant -1.000000e+00 : f32
    %jit3A_13 = arith.constant 1.000000e+00 : f32
    %max3A_14 = vector.broadcast %jit3A_12 : f32 to vector<2000x1024xf32>
    %max3A_15 = arith.maximumf %max3A_14, %get3A_11 : vector<2000x1024xf32>
    %min3A_16 = vector.broadcast %jit3A_13 : f32 to vector<2000x1024xf32>
    %min3A_17 = arith.minimumf %min3A_16, %max3A_15 : vector<2000x1024xf32>
    %gt3A = vector.broadcast %sub3A_8 : vector<1x1024xf32> to vector<2000x1024xf32>
    %gt3A_18 = arith.cmpf ogt, %min3A_17, %gt3A : vector<2000x1024xf32>
    %mul3A = arith.constant 1.200000e+00 : f32
    %mul3A_19 = vector.broadcast %mul3A : f32 to vector<2000x1024xf32>
    %mul3A_20 = arith.mulf %mul3A_19, %min3A_17 : vector<2000x1024xf32>
    %add3A = arith.constant 2.000000e-01 : f32
    %add3A_21 = vector.broadcast %add3A : f32 to vector<2000x1024xf32>
    %add3A_22 = arith.addf %mul3A_20, %add3A_21 : vector<2000x1024xf32>
    %select_n3A = arith.select %gt3A_18, %add3A_22, %min3A_17 : vector<2000x1024xi1>, vector<2000x1024xf32>
    %get3A_23 = arith.constant 0 : index
    %get3A_24 = arith.constant 0 : index
    %get3A_25 = vector.load %arg4[%get3A_23, %get3A_24] : memref<1x1024xf32, #tpu.memory_space<vmem>>, vector<1x1024xf32>
    %mul3A_26 = arith.constant 46.1662407 : f32
    %mul3A_27 = vector.broadcast %mul3A_26 : f32 to vector<2000x1024xf32>
    %mul3A_28 = arith.mulf %select_n3A, %mul3A_27 : vector<2000x1024xf32>
    %sub3A_29 = arith.constant 64.6327362 : f32
    %sub3A_30 = vector.broadcast %sub3A_29 : f32 to vector<2000x1024xf32>
    %sub3A_31 = arith.subf %mul3A_28, %sub3A_30 : vector<2000x1024xf32>
    %exp23A = math.exp2 %sub3A_31 : vector<2000x1024xf32>
    %reduce_sum3A = arith.constant dense<0.000000e+00> : vector<1024xf32>
    %reduce_sum3A_32 = vector.multi_reduction <add>, %exp23A, %reduce_sum3A [0] : vector<2000x1024xf32> to vector<1024xf32>
    %broadcast_in_dim3A = vector.shape_cast %reduce_sum3A_32 : vector<1024xf32> to vector<1x1024xf32>
    %add3A_33 = arith.addf %get3A_25, %broadcast_in_dim3A : vector<1x1024xf32>
    %swap3A = arith.constant 0 : index
    %swap3A_34 = arith.constant 0 : index
    %swap3A_35 = vector.load %arg4[%swap3A, %swap3A_34] : memref<1x1024xf32, #tpu.memory_space<vmem>>, vector<1x1024xf32>
    tpu.vector_store %arg4[%swap3A, %swap3A_34], %add3A_33 {strides = array<i32>} : memref<1x1024xf32, #tpu.memory_space<vmem>>, vector<1x1024xf32>,
    %eq3A_36 = arith.constant 49 : i32
    %eq3A_37 = arith.cmpi eq, %arg0, %eq3A_36 : i32
    %convert_element_type3A_38 = arith.extui %eq3A_37 : i1 to i32
    %cond3A_39 = arith.constant 0 : i32
    %cond3A_40 = arith.cmpi ne, %convert_element_type3A_38, %cond3A_39 : i32
    scf.if %cond3A_40 {
      %gt3A_41 = arith.constant 0.000000e+00 : f32
      %gt3A_42 = vector.broadcast %gt3A_41 : f32 to vector<1x1024xf32>
      %gt3A_43 = arith.cmpf ogt, %min3A_6, %gt3A_42 : vector<1x1024xf32>
      %select_n3A_44 = arith.select %gt3A_43, %sub3A_8, %min3A_6 : vector<1x1024xi1>, vector<1x1024xf32>
      %mul3A_45 = arith.constant 1.200000e+00 : f32
      %mul3A_46 = vector.broadcast %mul3A_45 : f32 to vector<1x1024xf32>
      %mul3A_47 = arith.mulf %mul3A_46, %min3A_6 : vector<1x1024xf32>
      %add3A_48 = arith.constant 2.000000e-01 : f32
      %add3A_49 = vector.broadcast %add3A_48 : f32 to vector<1x1024xf32>
      %add3A_50 = arith.addf %mul3A_47, %add3A_49 : vector<1x1024xf32>
      %get3A_51 = arith.constant 0 : index
      %get3A_52 = arith.constant 0 : index
      %get3A_53 = vector.load %arg4[%get3A_51, %get3A_52] : memref<1x1024xf32, #tpu.memory_space<vmem>>, vector<1x1024xf32>
      %mul3A_54 = arith.constant 46.1662407 : f32
      %mul3A_55 = vector.broadcast %mul3A_54 : f32 to vector<1x1024xf32>
      %mul3A_56 = arith.mulf %add3A_50, %mul3A_55 : vector<1x1024xf32>
      %sub3A_57 = arith.constant 64.6327362 : f32
      %sub3A_58 = vector.broadcast %sub3A_57 : f32 to vector<1x1024xf32>
      %sub3A_59 = arith.subf %mul3A_56, %sub3A_58 : vector<1x1024xf32>
      %exp23A_60 = math.exp2 %sub3A_59 : vector<1x1024xf32>
      %sub3A_61 = arith.subf %get3A_53, %exp23A_60 : vector<1x1024xf32>
      %mul3A_62 = arith.constant 46.1662407 : f32
      %mul3A_63 = vector.broadcast %mul3A_62 : f32 to vector<1x1024xf32>
      %mul3A_64 = arith.mulf %select_n3A_44, %mul3A_63 : vector<1x1024xf32>
      %sub3A_65 = arith.constant 64.6327362 : f32
      %sub3A_66 = vector.broadcast %sub3A_65 : f32 to vector<1x1024xf32>
      %sub3A_67 = arith.subf %mul3A_64, %sub3A_66 : vector<1x1024xf32>
      %exp23A_68 = math.exp2 %sub3A_67 : vector<1x1024xf32>
      %add3A_69 = arith.addf %sub3A_61, %exp23A_68 : vector<1x1024xf32>
      %log3A = math.log %add3A_69 : vector<1x1024xf32>
      %add3A_70 = arith.constant 4.480000e+01 : f32
      %add3A_71 = vector.broadcast %add3A_70 : f32 to vector<1x1024xf32>
      %add3A_72 = arith.addf %log3A, %add3A_71 : vector<1x1024xf32>
      %mul3A_73 = arith.constant 3.200000e+01 : f32
      %mul3A_74 = vector.broadcast %mul3A_73 : f32 to vector<1x1024xf32>
      %mul3A_75 = arith.mulf %mul3A_74, %select_n3A_44 : vector<1x1024xf32>
      %sub3A_76 = arith.subf %add3A_72, %mul3A_75 : vector<1x1024xf32>
      %reduce_sum3A_77 = vector.shape_cast %sub3A_76 : vector<1x1024xf32> to vector<1x1x1024xf32>
      %reduce_sum3A_78 = arith.constant dense<0.000000e+00> : vector<1xf32>
      %reduce_sum3A_79 = vector.multi_reduction <add>, %reduce_sum3A_77, %reduce_sum3A_78 [1, 2] : vector<1x1x1024xf32> to vector<1xf32>
      %reduce_sum3A_80 = vector.shape_cast %reduce_sum3A_79 : vector<1xf32> to vector<1x1x1xf32>
      %reduce_sum3A_81 = vector.extract %reduce_sum3A_80[0, 0, 0] : f32 from vector<1x1x1xf32>
      %mul3A_82 = arith.constant 9.765625E-4 : f32
      %mul3A_83 = arith.mulf %reduce_sum3A_81, %mul3A_82 : f32
      %reshape3A = vector.broadcast %mul3A_83 : f32 to vector<1x1xf32>
      %swap3A_84 = arith.constant 0 : index
      %swap3A_85 = arith.constant 0 : index
      %swap3A_86 = vector.load %arg3[%swap3A_84, %swap3A_85] : memref<1x1xf32, #tpu.memory_space<vmem>>, vector<1x1xf32>
      tpu.vector_store %arg3[%swap3A_84, %swap3A_85], %reshape3A {strides = array<i32>} : memref<1x1xf32, #tpu.memory_space<vmem>>, vector<1x1xf32>,
    } else {
    }
    return
  }
  func.func @transform_0(%arg0: i32) -> (i32, i32) {
    %c0_i32 = arith.constant 0 : i32
    %c0_i32_0 = arith.constant 0 : i32
    return %arg0, %c0_i32 : i32, i32
  }
  func.func @transform_1(%arg0: i32) -> (i32, i32) {
    %c0_i32 = arith.constant 0 : i32
    %c0_i32_0 = arith.constant 0 : i32
    %c0_i32_1 = arith.constant 0 : i32
    return %c0_i32, %c0_i32_0 : i32, i32
  }
  func.func @transform_2(%arg0: i32) -> (i32, i32) {
    %c0_i32 = arith.constant 0 : i32
    %c0_i32_0 = arith.constant 0 : i32
    %c0_i32_1 = arith.constant 0 : i32
    return %c0_i32, %c0_i32_0 : i32, i32
  }
}

module attributes {stable_mosaic.version = 14 : i64} {
  func.func @_diag_body(%arg0: memref<1024x1024xf32, #tpu.memory_space<vmem>>, %arg1: memref<1x1024xf32, #tpu.memory_space<vmem>>) attributes {dimension_semantics = [], scalar_prefetch = 0 : i64, scratch_operands = 0 : i64, tpu.core_type = #tpu.core_type<tc>} {
    %iota3A = tpu.iota {dimensions = array<i32: 0>} : vector<1024x1024xi32>
    %iota3A_0 = tpu.iota {dimensions = array<i32: 1>} : vector<1024x1024xi32>
    %eq3A = arith.cmpi eq, %iota3A, %iota3A_0 : vector<1024x1024xi32>
    %get3A = arith.constant 0 : index
    %get3A_1 = arith.constant 0 : index
    %get3A_2 = vector.load %arg0[%get3A, %get3A_1] : memref<1024x1024xf32, #tpu.memory_space<vmem>>, vector<1024x1024xf32>
    %jit3A = arith.constant 0.000000e+00 : f32
    %broadcast_in_dim3A = vector.broadcast %jit3A : f32 to vector<1024x1024xf32>
    %select_n3A = arith.select %eq3A, %get3A_2, %broadcast_in_dim3A : vector<1024x1024xi1>, vector<1024x1024xf32>
    %reduce_sum3A = arith.constant dense<0.000000e+00> : vector<1024xf32>
    %reduce_sum3A_3 = vector.multi_reduction <add>, %select_n3A, %reduce_sum3A [0] : vector<1024x1024xf32> to vector<1024xf32>
    %broadcast_in_dim3A_4 = vector.shape_cast %reduce_sum3A_3 : vector<1024xf32> to vector<1x1024xf32>
    %swap3A = arith.constant 0 : index
    %swap3A_5 = arith.constant 0 : index
    %swap3A_6 = vector.load %arg1[%swap3A, %swap3A_5] : memref<1x1024xf32, #tpu.memory_space<vmem>>, vector<1x1024xf32>
    tpu.vector_store %arg1[%swap3A, %swap3A_5], %broadcast_in_dim3A_4 {strides = array<i32>} : memref<1x1024xf32, #tpu.memory_space<vmem>>, vector<1x1024xf32>,
    return
  }
}

</mosaic_0001>

<sc_bundles>
// kernel: kernel.5.cloned.1.call-start
scs
__scs_entry_jumppad:
0x0: {  	(pc) =	sbr.rel $0x88, $3  }
0x1: {  	(tag) =	ssettag $0x0;
	lr =	simm.s32 $0x1  }
0x2: {  	[smem:$0x3F9F] =	sst lr;
	_ =	strace $0xD0000000  }
0x3: {  	_ = 	snop  }
0x4: {  	_ = 	snop  }
0x5: {  	_ = 	snop  }
0x6: {  	_ = 	snop  }
0x7: {  	_ = 	snop  }
__scs_overlays_trampoline_lowered:
0x8: {  	[smem:$0x3FAE] =	sst s0  }
0x9: {  	[smem:$0x3FAF] =	sst s1  }
0xa: {  	[smem:$0x3FB0] =	sst s2  }
0xb: {  	[smem:$0x3FB1] =	sst s3  }
0xc: {  	[smem:$0x3FB2] =	sst s4  }
0xd: {  	[smem:$0x3FB3] =	sst s5  }
0xe: {  	[smem:$0x3FB4] =	sst s6  }
0xf: {  	[smem:$0x3FB5] =	sst s7  }
0x10: {  	[smem:$0x3FB6] =	sst s8  }
0x11: {  	[smem:$0x3FB7] =	sst s9;
	s0 =	simm.s32 @!p0 $0x0  }
0x12: {  	s1 =	sld [smem:$0x3F9D];
	s0 =	simm.s32 @p0 $0x1  }
0x13: {  	[smem:$0x3FB8] =	sst s0;
	s0 =	simm.s32 @!p1 $0x0  }
0x14: {  	s2 =	sld [smem:$0x3F9C];
	s0 =	simm.s32 @p1 $0x1  }
0x15: {  	[smem:$0x3FB9] =	sst s0;
	s0 =	simm.s32 @!p2 $0x0  }
0x16: {  	s3 =	sld [smem:$0x3FDB];
	s0 =	simm.s32 @p2 $0x1  }
0x17: {  	s4 =	simm.s32 $0x1BF5;
	[smem:$0x3FBB] =	sst s0  }
0x18: {  	s0 =	sld [smem:$0x3F9E];
	_ =	swait.ge [sflag:s4], $0x0  }
0x19: {  	s7 =	sld [smem:$0x3F9F]  }
0x1a: {  	s8 =	sadd.s32 $0xFFFFE003, lr  }
0x1b: {  	s9 =	sadd.s32 $0xFFFFFEF7, lr;
	s5 =	simm.s32 $0xFFFFFFFF;
	p2 =	slt.u32 s8, $0xFFFFF086  }
0x1c: {  	p1 =	slt.u32 s9, $0xF7A;
	s5 =	simm.s32 @!p2 $0x0  }
0x1d: {  	s5 =	simm.s32 @p1 $0x1;
	p0 =	seq.s32 s7, s2  }
0x1e: {  	s7 =	smul.u32 @!p0 $0xF7A, s2;
	p2 =	seq.s32 @!p0 s5, $0x0  }
0x1f: {  	s9 =	smul.u32 $0xF7A, s1;
	s8 =	simm.s32 @!p0 $0x1BF5;
	p2 =	por !p2, p0  }
0x20: {  	[sflag:s8] =	ssyncset.s32 @!p0 $0xFFFFF086;
	s6 =	sadd.s32 @!p0 s3, s7;
	s7 =	simm.s32 @!p0 $0x108  }
0x21: {  	s3 =	sadd.s32 s3, s9;
	s6 =	sadd.s32 @!p0 $0x88, s6;
	s7 =	simm.s32 @p2 $0x1082  }
0x22: {  	[simem:s7], [sflag:s8] =	dma.local @!p0 [hbm:s6], $0xF7A  }
0x23: {  	s9 =	sor.u32 $0xD0000000, s2;
	s6 =	simm.s32 $0x108;
	_ =	swait.ge @!p0 [sflag:s8], $0x0  }
0x24: {  	s3 =	sadd.s32 $0x88, s3;
	s6 =	simm.s32 @!p1 $0x1082;
	[sflag:s4] =	ssyncset.s32 $0xFFFFF086  }
0x25: {  	[simem:s6], [sflag:s4] =	dma.local [hbm:s3], $0xF7A  }
0x26: {  	[smem:$0x3F9F] =	sst s1;
	(tag) =	ssettag s2;
	_ =	strace s9  }
0x27: {  	s1 =	sld [smem:$0x3FAF]  }
0x28: {  	s2 =	sld [smem:$0x3FB0]  }
0x29: {  	s4 =	sld [smem:$0x3FB2]  }
0x2a: {  	p0 =	seq.s32 s5, $0x0;
	s5 =	sld [smem:$0x3FB3]  }
0x2b: {  	s6 =	sld [smem:$0x3FB4]  }
0x2c: {  	s7 =	sld [smem:$0x3FB5]  }
0x2d: {  	s3 =	simm.s32 $0x108;
	s8 =	sld [smem:$0x3FB6]  }
0x2e: {  	s3 =	simm.s32 @!p0 $0x1082;
	s9 =	sld [smem:$0x3FB7]  }
0x2f: {  	lr =	sadd.s32 s0, s3;
	s0 =	sld [smem:$0x3FAE]  }
0x30: {  	s3 =	sld [smem:$0x3FB1]  }
0x31: {  	[smem:$0x3FBA] =	sst s10  }
0x32: {  	s10 =	sld [smem:$0x3FB8];
	_ =	sdelay $0x3  }
0x33: {  	p0 =	seq.s32 s10, $0x1;
	s10 =	sld [smem:$0x3FBA];
	_ =	sdelay $0x3  }
0x34: {  	[smem:$0x3FBA] =	sst s10  }
0x35: {  	s10 =	sld [smem:$0x3FB9];
	_ =	sdelay $0x3  }
0x36: {  	p1 =	seq.s32 s10, $0x1;
	s10 =	sld [smem:$0x3FBA];
	_ =	sdelay $0x3  }
0x37: {  	[smem:$0x3FBA] =	sst s10  }
0x38: {  	s10 =	sld [smem:$0x3FBB]  }
0x39: {  	_ = 	snop;
	(pc) =	sbr.ind lr, $3  }
0x3a: {  	_ = 	snop  }
0x3b: {  	_ = 	snop  }
0x3c: {  	p2 =	seq.s32 s10, $0x1;
	s10 =	sld [smem:$0x3FBA]  }
0x3d: {  	_ =	shalt  }
0x3e: {  	_ =	shalt  }
0x3f: {  	_ =	shalt  }
0x40: {  	_ =	shalt  }
0x41: {  	_ =	shalt  }
0x42: {  	_ =	shalt  }
0x43: {  	_ =	shalt  }
0x44: {  	_ =	shalt  }
0x45: {  	_ =	shalt  }
0x46: {  	_ =	shalt  }
0x47: {  	_ =	shalt  }
0x48: {  	_ =	shalt  }
0x49: {  	_ =	shalt  }
0x4a: {  	_ =	shalt  }
0x4b: {  	_ =	shalt  }
0x4c: {  	_ =	shalt  }
0x4d: {  	_ =	shalt  }
0x4e: {  	_ =	shalt  }
0x4f: {  	_ =	shalt  }
0x50: {  	_ =	shalt  }
0x51: {  	_ =	shalt  }
0x52: {  	_ =	shalt  }
0x53: {  	_ =	shalt  }
0x54: {  	_ =	shalt  }
0x55: {  	_ =	shalt  }
0x56: {  	_ =	shalt  }
0x57: {  	_ =	shalt  }
0x58: {  	_ =	shalt  }
0x59: {  	_ =	shalt  }
0x5a: {  	_ =	shalt  }
0x5b: {  	_ =	shalt  }
0x5c: {  	_ =	shalt  }
0x5d: {  	_ =	shalt  }
0x5e: {  	_ =	shalt  }
0x5f: {  	_ =	shalt  }
0x60: {  	_ =	shalt  }
0x61: {  	_ =	shalt  }
0x62: {  	_ =	shalt  }
0x63: {  	_ =	shalt  }
0x64: {  	_ =	shalt  }
0x65: {  	_ =	shalt  }
0x66: {  	_ =	shalt  }
0x67: {  	_ =	shalt  }
0x68: {  	_ =	shalt  }
0x69: {  	_ =	shalt  }
0x6a: {  	_ =	shalt  }
0x6b: {  	_ =	shalt  }
0x6c: {  	_ =	shalt  }
0x6d: {  	_ =	shalt  }
0x6e: {  	_ =	shalt  }
0x6f: {  	_ =	shalt  }
0x70: {  	_ =	shalt  }
0x71: {  	_ =	shalt  }
0x72: {  	_ =	shalt  }
0x73: {  	_ =	shalt  }
0x74: {  	_ =	shalt  }
0x75: {  	_ =	shalt  }
0x76: {  	_ =	shalt  }
0x77: {  	_ =	shalt  }
0x78: {  	_ =	shalt  }
0x79: {  	_ =	shalt  }
0x7a: {  	_ =	shalt  }
0x7b: {  	_ =	shalt  }
0x7c: {  	_ =	shalt  }
0x7d: {  	_ =	shalt  }
0x7e: {  	_ =	shalt  }
0x7f: {  	_ =	shalt  }
0x80: {  	_ =	shalt  }
0x81: {  	_ =	shalt  }
0x82: {  	_ =	shalt  }
0x83: {  	_ =	shalt  }
0x84: {  	_ =	shalt  }
0x85: {  	_ =	shalt  }
0x86: {  	_ =	shalt  }
0x87: {  	_ =	shalt  }
.Lfunc_end0:
.L_simem_size_0:
called_computation_lowered:
.L_overlay_start_0:
0x88: {  	s2 =	sld [smem:$0x3FD9]  }
0x89: {  	s3 =	sld [smem:$0x3FFE];
	_ =	sdelay $0x1  }
0x8a: {  	s1 =	srdreg.scid  }
0x8b: {  	s0 =	sand.u32 $0x1, s1  }
0x8c: {  	s17 =	sshll.u32 s0, $0xA;
	s2 =	sadd.s32 s3, s2  }
0x8d: {  	s2 =	sadd.s32 s2, s17  }
0x8e: {  	[smem:$0x3FC6] =	sst s2  }
0x8f: {  	_ = 	snop  }
0x90: {  	s2 =	sld [smem:$0x3FC9]  }
0x91: {  	s18 =	sld [smem:$0x3FC8];
	(tm) =	ssettm $0x1  }
0x92: {  	s4 =	sld [smem:$0x3FFB];
	_ =	sdelay $0x3  }
0x93: {  	_ =	strace s4  }
0x94: {  	s4 =	sld [smem:$0x3FFC];
	_ =	sdelay $0x3  }
0x95: {  	_ =	strace s4  }
0x96: {  	s4 =	sld [smem:$0x3FFD];
	_ =	sdelay $0x3  }
0x97: {  	_ =	strace s4  }
0x98: {  	_ =	strace $0x8FFFFFFF  }
0x99: {  	s19 =	sld [smem:$0x3FDB];
	_ =	sdelay $0x1  }
0x9a: {  	s5 =	simm.s32 $_scs_section_size  }
0x9b: {  	s6 =	simm.s32 $_size__tile_overlayer_lowered;
	s7 =	simm.s32 $_tile_overlayer_lowered  }
0x9c: {  	s22 =	simm.s32 $0x1BFF;
	s21 =	sshll.u32 s7, $0x1;
	s4 =	sadd.s32 s5, s19  }
0x9d: {  	s8 =	simm.s32 $0x0;
	s20 =	sshll.u32 s6, $0x1;
	s6 =	sadd.s32 s21, s4  }
0x9e: {  	[timem:s8], [sflag:s22] =	dma.local [hbm:s6], s20  }
0x9f: {  	_ =	swait.ge [sflag:s22], s20  }
0xa0: {  	s5 =	ssub.s32 $0x0, s20;
	[sflag:s22] =	ssyncset.done $0x0  }
0xa1: {  	[sflag:s22] =	ssyncadd.s32 s5;
	_ =	sdelay $0x1  }
0xa2: {  	s23 =	simm.s32 $0x1B8B  }
0xa3: {  	_ =	swait.ge [sflag:s23], $0x1  }
0xa4: {  	[sflag:s23] =	ssyncset.done $0x0  }
0xa5: {  	s25 =	simm.s32 $0x1B8E;
	s24 =	sld [smem:$0x3FFE];
	[sflag:s23] =	ssyncadd.s32 $0xFFFFFFFF  }
0xa6: {  	s26 =	simm.s32 $execute0_lowered;
	[smem:$0x3FD2] =	sst s25  }
0xa7: {  	s6 =	sshll.u32 s26, $0x1;
	_ =	strace $0x80000046;
	[dreg:$0x1] =	wrdreg $0xFFFFFFFF  }
0xa8: {  	s28 =	simm.s32 $_size_execute0_lowered;
	s4 =	sadd.s32 s4, s6;
	[dreg:$0x0] =	wrdreg $0x0  }
0xa9: {  	s6 =	sshll.u32 s28, $0x1;
	[dreg:$0x2] =	wrdreg s4  }
0xaa: {  	[dreg:$0x3] =	wrdreg s6  }
0xab: {  	[dreg:$0x4] =	wrdreg $0xC0  }
0xac: {  	_ =	task [dreg:s8], $0x5FFFF  }
0xad: {  	[dreg:$0x1] =	wrdreg $0xFFFFFFFF  }
0xae: {  	[dreg:$0x0] =	wrdreg $0x60  }
0xaf: {  	[dreg:$0x2] =	wrdreg s2  }
0xb0: {  	[dreg:$0x3] =	wrdreg s18  }
0xb1: {  	[dreg:$0x4] =	wrdreg s24  }
0xb2: {  	[dreg:$0x5] =	wrdreg $0x9  }
0xb3: {  	_ =	task.clear_ibuf [dreg:s8], $0x6FFFF;
	_ =	strace $0x90000046  }
0xb4: {  	s29 =	simm.s32 $0x9;
	_ =	strace $0x80000048  }
0xb5: {  	_ =	swait.ge [sflag:s29], $0x1  }
0xb6: {  	[sflag:s29] =	ssyncadd.s32 $0xFFFFFFFF  }
0xb7: {  	_ =	strace $0x90000048  }
0xb8: {  	_ =	sfence  }
0xb9: {  	s30 =	sld [smem:$0x0];
	_ =	sdelay $0x2  }
0xba: {  	s31 =	sshll.u32 s1, $0xD;
	s1 =	sshrl.u32 s1, $0x2  }
0xbb: {  	s3 =	sand.u32 $0x4000, s31;
	s1 =	sadd.s32 s1, s30  }
0xbc: {  	s0 =	sor.u32 s3, s0;
	s1 =	sshll.u32 s1, $0x11  }
0xbd: {  	s0 =	sor.u32 s1, s0  }
0xbe: {  	s0 =	sadd.s32 $0x8F2B, s0  }
0xbf: {  	[sflag:s0] =	ssyncadd.remote.s32 $0x1  }
0xc0: {  	_ =	sfence.sel $0xFFFF  }
0xc1: {  	[dreg:$0x0] =	wrdreg $0xFFFFFFFF;
	(pc) =	sbr.abs _section_cstart, $3  }
0xc2: {  	[dreg:$0x1] =	wrdreg $0xFFFFFFFF  }
0xc3: {  	_ =	task.clear_ibuf [dreg:s8], $0x2FFFF;
	_ =	strace $0x9FFFFFFF  }
0xc4: {  	(tm) =	ssettm $0x7FFFFFFF  }
0xc5: {  	_ =	shalt  }
tec
execute0_lowered:
.L_overlay_start_1:
0x0: {  	(tag) =	ssettag $0x1  }
0x1: {  	s1 =	rddreg [dreg:$0x0]  }
0x2: {  	s4 =	rddreg [dreg:$0x1]  }
0x3: {  	s5 =	rddreg [dreg:$0x2];
	s3 =	srdreg.scid  }
0x4: {  	s0 =	rddreg [dreg:$0x3];
	s2 =	stileid.u32;
	s10 =	simm.s32 $0x2  }
0x5: {  	s11 =	simm.s32 $0x80;
	s12 =	simm.s32 $0x880;
	s13 =	simm.s32 $0x1080  }
0x6: {  	s14 =	simm.s32 $0x1880;
	s15 =	simm.s32 $0x2080;
	s16 =	simm.s32 $0x2880  }
0x7: {  	s17 =	simm.s32 $0x3080;
	s18 =	simm.s32 $0x3880;
	s19 =	simm.s32 $0x4080  }
0x8: {  	s20 =	simm.s32 $0x4880;
	s21 =	simm.s32 $0x5080;
	s22 =	simm.s32 $0x5880  }
0x9: {  	s23 =	simm.s32 $0x6080;
	s24 =	simm.s32 $0x6880;
	s25 =	simm.s32 $0x7080  }
0xa: {  	s26 =	simm.s32 $0x7880;
	s28 =	simm.s32 $0x1;
	s6 =	sand.u32 $0x1, s3  }
0xb: {  	s3 =	simm.s32 $0x0;
	s7 =	sshll.u32 s2, $0x6;
	s8 =	sshll.u32 s6, $0x5  }
0xc: {  	[smem:$0x7FF] =	sst s3;
	s6 =	ssub.s32 $0x2, s6;
	s7 =	sor.u32 s8, s7  }
0xd: {  	_ =	strace $0x80000047;
	s9 =	sshrl.u32 s6, $0x1;
	s8 =	sshll.u32 s7, $0x7  }
0xe: {  	v2 =	vlaneseq.u32;
	s9 =	ssub.s32 s6, s9;
	s31 =	sshrl.u32 s7, $0x3;
	s6 =	sadd.s32 $0x200, s1  }
0xf: {  	vm0 =	vmmov $0xffff;
	v1 =	vshrl.u32 v2, $0x3;
	s7 =	sadd.s32 $0x300, s1;
	s8 =	sadd.s32 s8, s5;
	s4 =	sadd.s32 s4, s31  }
0x10: {  	v0 =	vand.u32 $0x7, v2;
	v2 =	vor.u32 $0x8, v2;
	v1 =	vmul.u32 $0x8, v1;
	s5 =	sadd.s32 $0x100, s1;
	s9 =	smax.u32 s9, $0x1;
	s8 =	sadd.s32 $0x600, s8  }
.LBB2_1:
0x11: {  	[tilespmem:s3], [sflag:$0x2] =	stream.linear.gather [hbm4b:s4+s3], $0x20, $0x38;
	[tilespmem:$0x8080] =	vst v63  }
0x12: {  	_ =	swait.ge [sflag:s10], $0x20  }
0x13: {  	[sflag:s10] =	ssyncset.done $0x0  }
0x14: {  	[sflag:s10] =	ssyncadd.s32 $0xFFFFFFE0  }
0x15: {  	v3 =	vld [tilespmem:$0x0];
	_ =	sdelay $0x4  }
0x16: {  	v4 =	vshll.u32 v3, $0x3  }
0x17: {  	v3 =	vand.u32 $0x7, v3;
	v4 =	vand.u32 $0xFFFFFFC0, v4  }
0x18: {  	v3 =	vor.u32 v3, v4  }
0x19: {  	v4 =	vperm.xlane v3, v0;
	_ =	sdelay $0x1  }
0x1a: {  	v4 =	vadd.s32 v1, v4;
	_ =	sdelay $0x4  }
0x1b: {  	[tilespmem:s11], [sflag:$0x1] =	stream.indirect_vreg.gather [hbm4b:s1+s3], $0x80, v4, vm0, $0xb8;
	[tilespmem:$0x8080] =	vst v63  }
0x1c: {  	v3 =	vperm.xlane v3, v2  }
0x1d: {  	[tilespmem:s12], [sflag:$0x1] =	stream.indirect_vreg.gather [hbm4b:s5+s3], $0x80, v4, vm0, $0xb8;
	[tilespmem:$0x8080] =	vst v63  }
0x1e: {  	v3 =	vadd.s32 v1, v3  }
0x1f: {  	[tilespmem:s13], [sflag:$0x1] =	stream.indirect_vreg.gather [hbm4b:s6+s3], $0x80, v4, vm0, $0xb8;
	[tilespmem:$0x8080] =	vst v63  }
0x20: {  	_ = 	snop  }
0x21: {  	[tilespmem:s14], [sflag:$0x1] =	stream.indirect_vreg.gather [hbm4b:s7+s3], $0x80, v4, vm0, $0xb8;
	[tilespmem:$0x8080] =	vst v63  }
0x22: {  	_ = 	snop  }
0x23: {  	[tilespmem:s15], [sflag:$0x1] =	stream.indirect_vreg.gather [hbm4b:s1+s3], $0x80, v3, vm0, $0xb8;
	[tilespmem:$0x8080] =	vst v63  }
0x24: {  	_ = 	snop  }
0x25: {  	[tilespmem:s16], [sflag:$0x1] =	stream.indirect_vreg.gather [hbm4b:s5+s3], $0x80, v3, vm0, $0xb8;
	[tilespmem:$0x8080] =	vst v63  }
0x26: {  	_ = 	snop  }
0x27: {  	[tilespmem:s17], [sflag:$0x1] =	stream.indirect_vreg.gather [hbm4b:s6+s3], $0x80, v3, vm0, $0xb8;
	[tilespmem:$0x8080] =	vst v63  }
0x28: {  	_ = 	snop  }
0x29: {  	[tilespmem:s18], [sflag:$0x1] =	stream.indirect_vreg.gather [hbm4b:s7+s3], $0x80, v3, vm0, $0xb8;
	[tilespmem:$0x8080] =	vst v63  }
0x2a: {  	v3 =	vld [tilespmem:$0x10];
	_ =	sdelay $0x4  }
0x2b: {  	v63 =	vshll.u32 v3, $0x3  }
0x2c: {  	v3 =	vand.u32 $0x7, v3;
	v4 =	vand.u32 $0xFFFFFFC0, v63  }
0x2d: {  	v3 =	vor.u32 v3, v4  }
0x2e: {  	v4 =	vperm.xlane v3, v0;
	_ =	sdelay $0x1  }
0x2f: {  	v4 =	vadd.s32 v1, v4;
	_ =	sdelay $0x4  }
0x30: {  	[tilespmem:s19], [sflag:$0x1] =	stream.indirect_vreg.gather [hbm4b:s1+s3], $0x80, v4, vm0, $0xb8;
	[tilespmem:$0x8080] =	vst v63  }
0x31: {  	v3 =	vperm.xlane v3, v2  }
0x32: {  	[tilespmem:s20], [sflag:$0x1] =	stream.indirect_vreg.gather [hbm4b:s5+s3], $0x80, v4, vm0, $0xb8;
	[tilespmem:$0x8080] =	vst v63  }
0x33: {  	v3 =	vadd.s32 v1, v3  }
0x34: {  	[tilespmem:s21], [sflag:$0x1] =	stream.indirect_vreg.gather [hbm4b:s6+s3], $0x80, v4, vm0, $0xb8;
	[tilespmem:$0x8080] =	vst v63  }
0x35: {  	_ = 	snop  }
0x36: {  	[tilespmem:s22], [sflag:$0x1] =	stream.indirect_vreg.gather [hbm4b:s7+s3], $0x80, v4, vm0, $0xb8;
	[tilespmem:$0x8080] =	vst v63  }
0x37: {  	_ = 	snop  }
0x38: {  	[tilespmem:s23], [sflag:$0x1] =	stream.indirect_vreg.gather [hbm4b:s1+s3], $0x80, v3, vm0, $0xb8;
	[tilespmem:$0x8080] =	vst v63  }
0x39: {  	_ = 	snop  }
0x3a: {  	[tilespmem:s24], [sflag:$0x1] =	stream.indirect_vreg.gather [hbm4b:s5+s3], $0x80, v3, vm0, $0xb8;
	[tilespmem:$0x8080] =	vst v63  }
0x3b: {  	_ = 	snop  }
0x3c: {  	[tilespmem:s25], [sflag:$0x1] =	stream.indirect_vreg.gather [hbm4b:s6+s3], $0x80, v3, vm0, $0xb8;
	[tilespmem:$0x8080] =	vst v63  }
0x3d: {  	_ = 	snop  }
0x3e: {  	[tilespmem:s26], [sflag:$0x1] =	stream.indirect_vreg.gather [hbm4b:s7+s3], $0x80, v3, vm0, $0xb8;
	[tilespmem:$0x8080] =	vst v63  }
0x3f: {  	_ =	swait.ge [sflag:s28], $0x8000  }
0x40: {  	p0 =	sne.s32 s9, $0x1;
	[sflag:s28] =	ssyncset.done $0x0  }
.Ltmp0:
0x41: {  	[sflag:s28] =	ssyncadd.s32 $0xFFFF8000;
	(pc) =	sbr.rel @p0 .LBB2_1-.Ltmp0, $4  }
0x42: {  	[hbm4b:s8+s3] =	stream.linear.scatter [tilespmem:s11], [sflag:$0x2], $0x8000, $0x38;
	[tilespmem:$0x8080] =	vst v63  }
0x43: {  	_ =	swait.ge [sflag:s10], $0x8000  }
0x44: {  	[sflag:s10] =	ssyncset.done $0x0  }
0x45: {  	s9 =	sadd.s32 $0xFFFFFFFF, s9;
	[sflag:s10] =	ssyncadd.s32 $0xFFFF8000  }
0x46: {  	_ =	sfence.sel $0x180000  }
0x47: {  	[bflag:$0x0] =	sbarrier.arrive $0xFFFF  }
0x48: {  	p0 =	sne.s32 s2, $0x0;
	_ =	strace $0x90000047  }
0x49: {  	s0 =	sadd.s32 @!p0 $0x100000, s0;
	[bflag:$0x2] =	sbarrier.arrive $0xFFFF  }
0x4a: {  	[sflag:s0] =	ssyncadd.tile.s32 @!p0 $0x1;
	_ =	shalt  }
.Lfunc_end2:
_tile_overlayer_lowered:
.L_overlay_start_2:
0x4b: {  	(tag) =	ssettag $0x2  }
0x4c: {  	s0 =	rddreg [dreg:$0x0];
	s2 =	stileid.u32  }
0x4d: {  	s1 =	rddreg [dreg:$0x1];
	p0 =	sne.s32 s2, $0x0  }
0x4e: {  	s3 =	rddreg [dreg:$0x2];
	[bflag:$0x3] =	sbarrier.arrive $0xFFFF;
	s2 =	simm.s32 @!p0 $0x1C02  }
0x4f: {  	[timem:s3], [sflag:s2] =	dma.local @!p0 [hbm:s0], s1  }
0x50: {  	s0 =	simm.s32 @!p0 $0x2  }
0x51: {  	_ =	swait.ge @!p0 [sflag:s0], s1  }
0x52: {  	s1 =	ssub.s32 @!p0 $0x0, s1;
	[sflag:s0] =	ssyncset.done @!p0 $0x0  }
0x53: {  	[sflag:s0] =	ssyncadd.s32 @!p0 s1  }
0x54: {  	[bflag:$0x3] =	sbarrier.arrive $0xFFFF  }
0x55: {  	_ =	shalt  }

</sc_bundles>
